<compile_context>
chip_gen: v7x
topology: tpu7x:2x2x1
jax: 0.10.2.dev20260603
libtpu: 0.0.44.dev20260713+nightly
codegen_flags: <defaults>
</compile_context>

<pallas_src>
import functools

import jax
import jax.numpy as jnp
from jax import lax
from jax.experimental import pallas as pl
from jax.experimental.pallas import tpu as pltpu
from jax.experimental.pallas import tpu_sc as plsc

_B, _T, _DIM, _CDIM, _K = 16, 2048, 512, 64, 1024
_ROWS = _B * _T
_RB = 4096
_NBLK = _ROWS // _RB


def _argmax_body(x_ref, wint_ref, bin_ref, emb2_ref, ind_ref):
    z = jnp.dot(x_ref[...], wint_ref[...],
                preferred_element_type=jnp.float32) + bin_ref[...]
    e2 = emb2_ref[...]
    esq_t = 0.25 * jnp.sum(e2 * e2, axis=1, keepdims=True)
    flatsq_row = jnp.sum(z * z, axis=1, keepdims=True).T
    fe2_t = lax.dot_general(e2, z, (((1,), (1,)), ((), ())),
                            preferred_element_type=jnp.float32)
    a_t = flatsq_row - fe2_t + esq_t
    amin = jnp.min(a_t, axis=0)
    iota0 = lax.broadcasted_iota(jnp.int32, (_K, _RB), 0)
    ind_ref[0, 0, :] = jnp.min(jnp.where(a_t == amin[None, :], iota0, _K),
                               axis=0)


def _compute_indices(x2d, w_in_t, b_in2d, emb_t):
    ind3 = pl.pallas_call(
        _argmax_body,
        grid=(_NBLK,),
        in_specs=[
            pl.BlockSpec((_RB, _DIM), lambda i: (i, 0)),
            pl.BlockSpec((_DIM, _CDIM), lambda i: (0, 0)),
            pl.BlockSpec((1, _CDIM), lambda i: (0, 0)),
            pl.BlockSpec((_K, _CDIM), lambda i: (0, 0)),
        ],
        out_specs=pl.BlockSpec((1, 1, _RB), lambda i: (i, 0, 0)),
        out_shape=jax.ShapeDtypeStruct((_NBLK, 1, _RB), jnp.int32),
        compiler_params=pltpu.CompilerParams(
            dimension_semantics=("arbitrary",)),
    )(x2d, w_in_t, b_in2d, emb_t)
    return ind3.reshape(_ROWS)


_NC = 2
_NS = 16
_NW = _NC * _NS
_BPW = _ROWS // _NW
_CH = 128
_NCH = _BPW // _CH


def _sc_gather_body(emb_hbm, idx_hbm, q_hbm, idx_v, buf0, buf1, g0, g1):
    wid = lax.axis_index("s") * _NC + lax.axis_index("c")
    base = wid * _BPW
    pltpu.sync_copy(idx_hbm.at[wid], idx_v)
    pltpu.async_copy(emb_hbm.at[idx_v.at[0]], buf0, g0)

    def body(i, _):
        c0 = 2 * i
        pltpu.async_copy(emb_hbm.at[idx_v.at[c0 + 1]], buf1, g1)
        pltpu.make_async_copy(emb_hbm.at[idx_v.at[c0]], buf0, g0).wait()
        pltpu.sync_copy(buf0, q_hbm.at[pl.ds(base + c0 * _CH, _CH)])

        @pl.when(i < _NCH // 2 - 1)
        def _():
            pltpu.async_copy(emb_hbm.at[idx_v.at[c0 + 2]], buf0, g0)

        pltpu.make_async_copy(emb_hbm.at[idx_v.at[c0 + 1]], buf1, g1).wait()
        pltpu.sync_copy(buf1, q_hbm.at[pl.ds(base + (c0 + 1) * _CH, _CH)])
        return 0

    lax.fori_loop(0, _NCH // 2, body, 0)


def _sc_gather(embed64, ind3):
    mesh = plsc.VectorSubcoreMesh(core_axis_name="c", subcore_axis_name="s")
    k = functools.partial(
        pl.kernel,
        mesh=mesh,
        out_type=jax.ShapeDtypeStruct((_ROWS, _CDIM), jnp.float32),
        scratch_types=[
            pltpu.VMEM((_NCH, _CH), jnp.int32),
            pltpu.VMEM((_CH, _CDIM), jnp.float32),
            pltpu.VMEM((_CH, _CDIM), jnp.float32),
            pltpu.SemaphoreType.DMA,
            pltpu.SemaphoreType.DMA,
        ],
        compiler_params=pltpu.CompilerParams(use_tc_tiling_on_sc=False),
    )(_sc_gather_body)
    return k(embed64, ind3)


def _proj_out_body(q_ref, woutt_ref, bout_ref, out_ref):
    out_ref[...] = jnp.dot(q_ref[...], woutt_ref[...],
                           preferred_element_type=jnp.float32) + bout_ref[...]


def _project_out(q, w_out_t, b_out2d):
    return pl.pallas_call(
        _proj_out_body,
        grid=(_NBLK,),
        in_specs=[
            pl.BlockSpec((_RB, _CDIM), lambda i: (i, 0)),
            pl.BlockSpec((_CDIM, _DIM), lambda i: (0, 0)),
            pl.BlockSpec((1, _DIM), lambda i: (0, 0)),
        ],
        out_specs=pl.BlockSpec((_RB, _DIM), lambda i: (i, 0)),
        out_shape=jax.ShapeDtypeStruct((_ROWS, _DIM), jnp.float32),
        compiler_params=pltpu.CompilerParams(
            dimension_semantics=("arbitrary",)),
    )(q, w_out_t, b_out2d)


def kernel(x, W_in, b_in, W_out, b_out, embed):
    x2d = x.reshape(_ROWS, _DIM)
    w_in_t = W_in.T
    emb2 = 2.0 * embed
    b_in2d = b_in.reshape(1, _CDIM)
    w_out_t = W_out.T
    b_out2d = b_out.reshape(1, _DIM)

    ind = _compute_indices(x2d, w_in_t, b_in2d, emb2)
    q = _sc_gather(embed, ind.reshape(_NW, _NCH, _CH))
    out = _project_out(q, w_out_t, b_out2d)
    return out.reshape(_B, _T, _DIM)

# --- scband reference (transcript-rebuilt; emitter-appended) ---
"""Pipeline reference for scband-qwen3-ttstokenizer-single-codebook-vector-quantization-12524124636033 (READ-ONLY COPY).

The authoritative reference and input builder live on the scoring server;
editing this copy changes nothing except your own understanding.
"""

import jax, jax.numpy as jnp
import numpy as np

B, T, DIM, CDIM, K = 16, 2048, 512, 64, 1024

def setup_inputs(seed: int = 0) -> dict:
    key = jax.random.key(seed)
    ks = jax.random.split(key, 6)
    x = jax.random.normal(ks[0], (B, T, DIM), dtype=jnp.float32)
    W_in = jax.random.normal(ks[1], (CDIM, DIM), dtype=jnp.float32) * (1.0 / np.sqrt(DIM))
    b_in = jnp.zeros((CDIM,), dtype=jnp.float32)
    W_out = jax.random.normal(ks[2], (DIM, CDIM), dtype=jnp.float32) * (1.0 / np.sqrt(CDIM))
    b_out = jnp.zeros((DIM,), dtype=jnp.float32)
    embed = jax.random.normal(ks[3], (K, CDIM), dtype=jnp.float32)
    return {"x": x, "W_in": W_in, "b_in": b_in, "W_out": W_out, "b_out": b_out, "embed": embed}

def reference(x, W_in, b_in, W_out, b_out, embed):
    # project_in: Linear(dim -> codebook_dim)
    z = x @ W_in.T + b_in
    shp = z.shape
    flat = z.reshape(-1, shp[-1])
    # Euclidean codebook quantize: dist = -(||x||^2 - 2 x E^T + ||e||^2), argmax
    e_t = embed.T  # [CDIM, K]
    dist = -(jnp.sum(flat * flat, axis=1, keepdims=True) - 2.0 * (flat @ e_t) + jnp.sum(e_t * e_t, axis=0, keepdims=True))
    embed_ind = jnp.argmax(dist, axis=-1)  # [B*T]
    # dequantize: embedding lookup
    quantize = jnp.take(embed, embed_ind, axis=0)  # [B*T, CDIM]
    # project_out: Linear(codebook_dim -> dim)
    out = quantize @ W_out.T + b_out
    return out.reshape(shp[0], shp[1], -1)

if __name__ == "__main__":
    import jax
    _d = setup_inputs()
    print(jax.jit(kernel)(*tuple(_d.values())))

</pallas_src>

<mosaic_0001>
#map = affine_map<(d0, d1) -> (0, 0)>
#map1 = affine_map<(d0, d1) -> (0, 0, 0)>
module attributes {stable_mosaic.version = 14 : i64} {
  func.func @_sc_gather_body(%arg0: i32, %arg1: i32, %arg2: memref<1024x64xf32, #tpu.memory_space<hbm>>, %arg3: memref<32x8x128xi32, #tpu.memory_space<hbm>>, %arg4: memref<32768x64xf32, #tpu.memory_space<hbm>>, %arg5: memref<8x128xi32, #tpu.memory_space<vmem>>, %arg6: memref<128x64xf32, #tpu.memory_space<vmem>>, %arg7: memref<128x64xf32, #tpu.memory_space<vmem>>, %arg8: memref<!tpu.dma_semaphore, #tpu.memory_space<semaphore_mem>>, %arg9: memref<!tpu.dma_semaphore, #tpu.memory_space<semaphore_mem>>) attributes {dimension_semantics = [#tpu.dimension_semantics<core_parallel>, #tpu.dimension_semantics<subcore_parallel>], iteration_bounds = array<i64: 2, 16>, scalar_prefetch = 0 : i64, scratch_operands = 5 : i64, tpu.core_type = #tpu.core_type<sc_vector_subcore>, window_params = [{transform_indices = #map}, {transform_indices = #map1}, {transform_indices = #map}]} {
    %mul3A = arith.constant 2 : i32
    %mul3A_0 = arith.muli %arg1, %mul3A : i32
    %add3A = arith.addi %mul3A_0, %arg0 : i32
    %mul3A_1 = arith.constant 1024 : i32
    %mul3A_2 = arith.muli %add3A, %mul3A_1 : i32
    "tpu.region"() ({
      %run_scoped3A = tpu.sem_alloc : memref<!tpu.dma_semaphore, #tpu.memory_space<semaphore_mem>>
      %dma_start3A_15 = arith.constant 0 : i32
      %dma_start3A_16 = arith.constant 0 : i32
      %dma_start3A_17 = tpu.memref_slice %arg3[%add3A, %dma_start3A_15, %dma_start3A_16] : memref<32x8x128xi32, #tpu.memory_space<hbm>> -> memref<1x8x128xi32, #tpu.memory_space<hbm>>
      %dma_start3A_18 = tpu.memref_squeeze %dma_start3A_17 : memref<1x8x128xi32, #tpu.memory_space<hbm>> -> memref<8x128xi32, #tpu.memory_space<hbm>>
      %dma_start3A_19 = arith.constant 0 : i32
      %dma_start3A_20 = arith.constant 0 : i32
      %dma_start3A_21 = tpu.memref_slice %arg3[%add3A, %dma_start3A_19, %dma_start3A_20] : memref<32x8x128xi32, #tpu.memory_space<hbm>> -> memref<1x8x128xi32, #tpu.memory_space<hbm>>
      %dma_start3A_22 = tpu.memref_squeeze %dma_start3A_21 : memref<1x8x128xi32, #tpu.memory_space<hbm>> -> memref<8x128xi32, #tpu.memory_space<hbm>>
      tpu.enqueue_dma source(%dma_start3A_22 : memref<8x128xi32, #tpu.memory_space<hbm>>) target(%arg5 : memref<8x128xi32, #tpu.memory_space<vmem>>) target_semaphore(%run_scoped3A : memref<!tpu.dma_semaphore, #tpu.memory_space<semaphore_mem>>)
      %dma_wait3A = arith.constant 0 : i32
      %dma_wait3A_23 = arith.constant 0 : i32
      %dma_wait3A_24 = tpu.memref_slice %arg3[%add3A, %dma_wait3A, %dma_wait3A_23] : memref<32x8x128xi32, #tpu.memory_space<hbm>> -> memref<1x8x128xi32, #tpu.memory_space<hbm>>
      %dma_wait3A_25 = tpu.memref_squeeze %dma_wait3A_24 : memref<1x8x128xi32, #tpu.memory_space<hbm>> -> memref<8x128xi32, #tpu.memory_space<hbm>>
      %dma_wait3A_26 = arith.constant 0 : i32
      %dma_wait3A_27 = arith.constant 0 : i32
      %dma_wait3A_28 = tpu.memref_slice %arg3[%add3A, %dma_wait3A_26, %dma_wait3A_27] : memref<32x8x128xi32, #tpu.memory_space<hbm>> -> memref<1x8x128xi32, #tpu.memory_space<hbm>>
      %dma_wait3A_29 = tpu.memref_squeeze %dma_wait3A_28 : memref<1x8x128xi32, #tpu.memory_space<hbm>> -> memref<8x128xi32, #tpu.memory_space<hbm>>
      tpu.wait_dma2 semaphore(%run_scoped3A : memref<!tpu.dma_semaphore, #tpu.memory_space<semaphore_mem>>) src(%dma_wait3A_29 : memref<8x128xi32, #tpu.memory_space<hbm>>) dst(%arg5 : memref<8x128xi32, #tpu.memory_space<vmem>>)
      tpu.yield
    }) : () -> ()
    %dma_start3A = arith.constant 0 : i32
    %dma_start3A_3 = arith.constant 0 : i32
    %dma_start3A_4 = tpu.memref_slice %arg5[%dma_start3A, %dma_start3A_3] : memref<8x128xi32, #tpu.memory_space<vmem>> -> memref<1x128xi32, #tpu.memory_space<vmem>>
    %dma_start3A_5 = tpu.memref_squeeze %dma_start3A_4 : memref<1x128xi32, #tpu.memory_space<vmem>> -> memref<128xi32, #tpu.memory_space<vmem>>
    %dma_start3A_6 = arith.constant 0 : i32
    %dma_start3A_7 = arith.constant 0 : i32
    %dma_start3A_8 = tpu.memref_slice %arg2[%dma_start3A_6, %dma_start3A_7] : memref<1024x64xf32, #tpu.memory_space<hbm>> -> memref<1024x64xf32, #tpu.memory_space<hbm>>
    tpu.enqueue_indirect_dma source(%dma_start3A_8 : memref<1024x64xf32, #tpu.memory_space<hbm>>) target(%arg6 : memref<128x64xf32, #tpu.memory_space<vmem>>) offsets(%dma_start3A_5 : memref<128xi32, #tpu.memory_space<vmem>>) semaphore(%arg8 : memref<!tpu.dma_semaphore, #tpu.memory_space<semaphore_mem>>)
    %scan3A = arith.constant 0 : i32
    %scan3A_9 = arith.constant 0 : i32
    %scan3A_10 = arith.constant 4 : i32
    %scan3A_11 = arith.addi %scan3A_9, %scan3A_10 : i32
    %scan3A_12 = arith.constant 1 : i32
    %scan3A_13 = scf.for %scan3A_15 = %scan3A_9 to %scan3A_11 step %scan3A_12 iter_args(%scan3A_16 = %scan3A) -> (i32)  : i32 {
      %mul3A_17 = arith.constant 2 : i32
      %mul3A_18 = arith.muli %mul3A_17, %scan3A_15 : i32
      %add3A_19 = arith.constant 1 : i32
      %add3A_20 = arith.addi %mul3A_18, %add3A_19 : i32
      %dma_start3A_21 = arith.constant 0 : i32
      %dma_start3A_22 = tpu.memref_slice %arg5[%add3A_20, %dma_start3A_21] : memref<8x128xi32, #tpu.memory_space<vmem>> -> memref<1x128xi32, #tpu.memory_space<vmem>>
      %dma_start3A_23 = tpu.memref_squeeze %dma_start3A_22 : memref<1x128xi32, #tpu.memory_space<vmem>> -> memref<128xi32, #tpu.memory_space<vmem>>
      %dma_start3A_24 = arith.constant 0 : i32
      %dma_start3A_25 = arith.constant 0 : i32
      %dma_start3A_26 = tpu.memref_slice %arg2[%dma_start3A_24, %dma_start3A_25] : memref<1024x64xf32, #tpu.memory_space<hbm>> -> memref<1024x64xf32, #tpu.memory_space<hbm>>
      tpu.enqueue_indirect_dma source(%dma_start3A_26 : memref<1024x64xf32, #tpu.memory_space<hbm>>) target(%arg7 : memref<128x64xf32, #tpu.memory_space<vmem>>) offsets(%dma_start3A_23 : memref<128xi32, #tpu.memory_space<vmem>>) semaphore(%arg9 : memref<!tpu.dma_semaphore, #tpu.memory_space<semaphore_mem>>)
      %dma_wait3A = arith.constant 0 : i32
      %dma_wait3A_27 = tpu.memref_slice %arg5[%mul3A_18, %dma_wait3A] : memref<8x128xi32, #tpu.memory_space<vmem>> -> memref<1x128xi32, #tpu.memory_space<vmem>>
      %dma_wait3A_28 = tpu.memref_squeeze %dma_wait3A_27 : memref<1x128xi32, #tpu.memory_space<vmem>> -> memref<128xi32, #tpu.memory_space<vmem>>
      %dma_wait3A_29 = arith.constant 0 : i32
      %dma_wait3A_30 = arith.constant 0 : i32
      %dma_wait3A_31 = tpu.memref_slice %arg2[%dma_wait3A_29, %dma_wait3A_30] : memref<1024x64xf32, #tpu.memory_space<hbm>> -> memref<1024x64xf32, #tpu.memory_space<hbm>>
      tpu.wait_indirect_dma semaphore(%arg8 : memref<!tpu.dma_semaphore, #tpu.memory_space<semaphore_mem>>) src(%dma_wait3A_31 : memref<1024x64xf32, #tpu.memory_space<hbm>>) dst(%arg6 : memref<128x64xf32, #tpu.memory_space<vmem>>)
      %mul3A_32 = arith.constant 128 : i32
      %mul3A_33 = arith.muli %mul3A_18, %mul3A_32 : i32
      %add3A_34 = arith.addi %mul3A_2, %mul3A_33 : i32
      "tpu.region"() ({
        %run_scoped3A = tpu.sem_alloc : memref<!tpu.dma_semaphore, #tpu.memory_space<semaphore_mem>>
        %dma_start3A_51 = arith.constant 0 : i32
        %dma_start3A_52 = tpu.memref_slice %arg4[%add3A_34, %dma_start3A_51] : memref<32768x64xf32, #tpu.memory_space<hbm>> -> memref<128x64xf32, #tpu.memory_space<hbm>>
        %dma_start3A_53 = arith.constant 0 : i32
        %dma_start3A_54 = tpu.memref_slice %arg4[%add3A_34, %dma_start3A_53] : memref<32768x64xf32, #tpu.memory_space<hbm>> -> memref<128x64xf32, #tpu.memory_space<hbm>>
        tpu.enqueue_dma source(%arg6 : memref<128x64xf32, #tpu.memory_space<vmem>>) target(%dma_start3A_54 : memref<128x64xf32, #tpu.memory_space<hbm>>) target_semaphore(%run_scoped3A : memref<!tpu.dma_semaphore, #tpu.memory_space<semaphore_mem>>)
        %dma_wait3A_55 = arith.constant 0 : i32
        %dma_wait3A_56 = tpu.memref_slice %arg4[%add3A_34, %dma_wait3A_55] : memref<32768x64xf32, #tpu.memory_space<hbm>> -> memref<128x64xf32, #tpu.memory_space<hbm>>
        %dma_wait3A_57 = arith.constant 0 : i32
        %dma_wait3A_58 = tpu.memref_slice %arg4[%add3A_34, %dma_wait3A_57] : memref<32768x64xf32, #tpu.memory_space<hbm>> -> memref<128x64xf32, #tpu.memory_space<hbm>>
        tpu.wait_dma2 semaphore(%run_scoped3A : memref<!tpu.dma_semaphore, #tpu.memory_space<semaphore_mem>>) src(%arg6 : memref<128x64xf32, #tpu.memory_space<vmem>>) dst(%dma_wait3A_58 : memref<128x64xf32, #tpu.memory_space<hbm>>)
        tpu.yield
      }) : () -> ()
      %lt3A = arith.constant 3 : i32
      %lt3A_35 = arith.cmpi slt, %scan3A_15, %lt3A : i32
      %convert_element_type3A = arith.extui %lt3A_35 : i1 to i32
      %cond3A = arith.constant 0 : i32
      %cond3A_36 = arith.cmpi ne, %convert_element_type3A, %cond3A : i32
      scf.if %cond3A_36 {
        %add3A_51 = arith.constant 2 : i32
        %add3A_52 = arith.addi %mul3A_18, %add3A_51 : i32
        %dma_start3A_53 = arith.constant 0 : i32
        %dma_start3A_54 = tpu.memref_slice %arg5[%add3A_52, %dma_start3A_53] : memref<8x128xi32, #tpu.memory_space<vmem>> -> memref<1x128xi32, #tpu.memory_space<vmem>>
        %dma_start3A_55 = tpu.memref_squeeze %dma_start3A_54 : memref<1x128xi32, #tpu.memory_space<vmem>> -> memref<128xi32, #tpu.memory_space<vmem>>
        %dma_start3A_56 = arith.constant 0 : i32
        %dma_start3A_57 = arith.constant 0 : i32
        %dma_start3A_58 = tpu.memref_slice %arg2[%dma_start3A_56, %dma_start3A_57] : memref<1024x64xf32, #tpu.memory_space<hbm>> -> memref<1024x64xf32, #tpu.memory_space<hbm>>
        tpu.enqueue_indirect_dma source(%dma_start3A_58 : memref<1024x64xf32, #tpu.memory_space<hbm>>) target(%arg6 : memref<128x64xf32, #tpu.memory_space<vmem>>) offsets(%dma_start3A_55 : memref<128xi32, #tpu.memory_space<vmem>>) semaphore(%arg8 : memref<!tpu.dma_semaphore, #tpu.memory_space<semaphore_mem>>)
      } else {
      }
      %add3A_37 = arith.constant 1 : i32
      %add3A_38 = arith.addi %mul3A_18, %add3A_37 : i32
      %dma_wait3A_39 = arith.constant 0 : i32
      %dma_wait3A_40 = tpu.memref_slice %arg5[%add3A_38, %dma_wait3A_39] : memref<8x128xi32, #tpu.memory_space<vmem>> -> memref<1x128xi32, #tpu.memory_space<vmem>>
      %dma_wait3A_41 = tpu.memref_squeeze %dma_wait3A_40 : memref<1x128xi32, #tpu.memory_space<vmem>> -> memref<128xi32, #tpu.memory_space<vmem>>
      %dma_wait3A_42 = arith.constant 0 : i32
      %dma_wait3A_43 = arith.constant 0 : i32
      %dma_wait3A_44 = tpu.memref_slice %arg2[%dma_wait3A_42, %dma_wait3A_43] : memref<1024x64xf32, #tpu.memory_space<hbm>> -> memref<1024x64xf32, #tpu.memory_space<hbm>>
      tpu.wait_indirect_dma semaphore(%arg9 : memref<!tpu.dma_semaphore, #tpu.memory_space<semaphore_mem>>) src(%dma_wait3A_44 : memref<1024x64xf32, #tpu.memory_space<hbm>>) dst(%arg7 : memref<128x64xf32, #tpu.memory_space<vmem>>)
      %add3A_45 = arith.constant 1 : i32
      %add3A_46 = arith.addi %mul3A_18, %add3A_45 : i32
      %mul3A_47 = arith.constant 128 : i32
      %mul3A_48 = arith.muli %add3A_46, %mul3A_47 : i32
      %add3A_49 = arith.addi %mul3A_2, %mul3A_48 : i32
      "tpu.region"() ({
        %run_scoped3A = tpu.sem_alloc : memref<!tpu.dma_semaphore, #tpu.memory_space<semaphore_mem>>
        %dma_start3A_51 = arith.constant 0 : i32
        %dma_start3A_52 = tpu.memref_slice %arg4[%add3A_49, %dma_start3A_51] : memref<32768x64xf32, #tpu.memory_space<hbm>> -> memref<128x64xf32, #tpu.memory_space<hbm>>
        %dma_start3A_53 = arith.constant 0 : i32
        %dma_start3A_54 = tpu.memref_slice %arg4[%add3A_49, %dma_start3A_53] : memref<32768x64xf32, #tpu.memory_space<hbm>> -> memref<128x64xf32, #tpu.memory_space<hbm>>
        tpu.enqueue_dma source(%arg7 : memref<128x64xf32, #tpu.memory_space<vmem>>) target(%dma_start3A_54 : memref<128x64xf32, #tpu.memory_space<hbm>>) target_semaphore(%run_scoped3A : memref<!tpu.dma_semaphore, #tpu.memory_space<semaphore_mem>>)
        %dma_wait3A_55 = arith.constant 0 : i32
        %dma_wait3A_56 = tpu.memref_slice %arg4[%add3A_49, %dma_wait3A_55] : memref<32768x64xf32, #tpu.memory_space<hbm>> -> memref<128x64xf32, #tpu.memory_space<hbm>>
        %dma_wait3A_57 = arith.constant 0 : i32
        %dma_wait3A_58 = tpu.memref_slice %arg4[%add3A_49, %dma_wait3A_57] : memref<32768x64xf32, #tpu.memory_space<hbm>> -> memref<128x64xf32, #tpu.memory_space<hbm>>
        tpu.wait_dma2 semaphore(%run_scoped3A : memref<!tpu.dma_semaphore, #tpu.memory_space<semaphore_mem>>) src(%arg7 : memref<128x64xf32, #tpu.memory_space<vmem>>) dst(%dma_wait3A_58 : memref<128x64xf32, #tpu.memory_space<hbm>>)
        tpu.yield
      }) : () -> ()
      %scan3A_50 = arith.constant 0 : i32
      scf.yield %scan3A_50 : i32
    }
    %scan3A_14 = arith.constant 4 : i32
    return
  }
}

module attributes {stable_mosaic.version = 14 : i64} {
  func.func @_argmax_body(%arg0: i32, %arg1: memref<4096x512xf32, #tpu.memory_space<vmem>>, %arg2: memref<512x64xf32, #tpu.memory_space<vmem>>, %arg3: memref<1x64xf32, #tpu.memory_space<vmem>>, %arg4: memref<1024x64xf32, #tpu.memory_space<vmem>>, %arg5: memref<1x1x4096xi32, #tpu.memory_space<vmem>>) attributes {dimension_semantics = [#tpu.dimension_semantics<arbitrary>], iteration_bounds = array<i64: 8>, scalar_prefetch = 0 : i64, scratch_operands = 0 : i64, tpu.core_type = #tpu.core_type<tc>, window_params = [{transform_indices = @transform_0, window_bounds = array<i64: 4096, 512>}, {pipeline_mode = #tpu.pipeline_mode<synchronous>, transform_indices = @transform_1, window_bounds = array<i64: 512, 64>}, {pipeline_mode = #tpu.pipeline_mode<synchronous>, transform_indices = @transform_2, window_bounds = array<i64: 1, 64>}, {pipeline_mode = #tpu.pipeline_mode<synchronous>, transform_indices = @transform_3, window_bounds = array<i64: 1024, 64>}, {transform_indices = @transform_4, window_bounds = array<i64: 1, 1, 4096>}]} {
    %get3A = arith.constant 0 : index
    %get3A_0 = arith.constant 0 : index
    %get3A_1 = vector.load %arg1[%get3A, %get3A_0] : memref<4096x512xf32, #tpu.memory_space<vmem>>, vector<4096x512xf32>
    %get3A_2 = arith.constant 0 : index
    %get3A_3 = arith.constant 0 : index
    %get3A_4 = vector.load %arg2[%get3A_2, %get3A_3] : memref<512x64xf32, #tpu.memory_space<vmem>>, vector<512x64xf32>
    %dot_general3A = arith.constant dense<0.000000e+00> : vector<4096x64xf32>
    %dot_general3A_5 = tpu.matmul %get3A_1, %get3A_4, %dot_general3A {dimension_numbers = #tpu.dot_dimension_numbers<[1], [0], [0], [1], [0, 0, 1, 1], [], []>, transpose_lhs_hint = false} : vector<4096x512xf32>, vector<512x64xf32>, vector<4096x64xf32> -> vector<4096x64xf32>
    %get3A_6 = arith.constant 0 : index
    %get3A_7 = arith.constant 0 : index
    %get3A_8 = vector.load %arg3[%get3A_6, %get3A_7] : memref<1x64xf32, #tpu.memory_space<vmem>>, vector<1x64xf32>
    %add3A = vector.broadcast %get3A_8 : vector<1x64xf32> to vector<4096x64xf32>
    %add3A_9 = arith.addf %dot_general3A_5, %add3A : vector<4096x64xf32>
    %get3A_10 = arith.constant 0 : index
    %get3A_11 = arith.constant 0 : index
    %get3A_12 = vector.load %arg4[%get3A_10, %get3A_11] : memref<1024x64xf32, #tpu.memory_space<vmem>>, vector<1024x64xf32>
    %mul3A = arith.mulf %get3A_12, %get3A_12 : vector<1024x64xf32>
    %reduce_sum3A = arith.constant dense<0.000000e+00> : vector<1024xf32>
    %reduce_sum3A_13 = vector.multi_reduction <add>, %mul3A, %reduce_sum3A [1] : vector<1024x64xf32> to vector<1024xf32>
    %broadcast_in_dim3A = vector.shape_cast %reduce_sum3A_13 : vector<1024xf32> to vector<1024x1xf32>
    %mul3A_14 = arith.constant 2.500000e-01 : f32
    %mul3A_15 = vector.broadcast %mul3A_14 : f32 to vector<1024x1xf32>
    %mul3A_16 = arith.mulf %mul3A_15, %broadcast_in_dim3A : vector<1024x1xf32>
    %mul3A_17 = arith.mulf %add3A_9, %add3A_9 : vector<4096x64xf32>
    %reduce_sum3A_18 = arith.constant dense<0.000000e+00> : vector<4096xf32>
    %reduce_sum3A_19 = vector.multi_reduction <add>, %mul3A_17, %reduce_sum3A_18 [1] : vector<4096x64xf32> to vector<4096xf32>
    %broadcast_in_dim3A_20 = vector.shape_cast %reduce_sum3A_19 : vector<4096xf32> to vector<4096x1xf32>
    %transpose3A = tpu.transpose %broadcast_in_dim3A_20, [1, 0] : vector<4096x1xf32> -> vector<1x4096xf32>
    %dot_general3A_21 = arith.constant dense<0.000000e+00> : vector<1024x4096xf32>
    %dot_general3A_22 = tpu.matmul %get3A_12, %add3A_9, %dot_general3A_21 {dimension_numbers = #tpu.dot_dimension_numbers<[1], [1], [0], [0], [0, 0, 1, 0], [], []>, transpose_lhs_hint = false} : vector<1024x64xf32>, vector<4096x64xf32>, vector<1024x4096xf32> -> vector<1024x4096xf32>
    %sub3A = vector.broadcast %transpose3A : vector<1x4096xf32> to vector<1024x4096xf32>
    %sub3A_23 = arith.subf %sub3A, %dot_general3A_22 : vector<1024x4096xf32>
    %add3A_24 = vector.broadcast %mul3A_16 : vector<1024x1xf32> to vector<1024x4096xf32>
    %add3A_25 = arith.addf %sub3A_23, %add3A_24 : vector<1024x4096xf32>
    %reduce_min3A = arith.constant dense<0x7F800000> : vector<4096xf32>
    %reduce_min3A_26 = vector.multi_reduction <minimumf>, %add3A_25, %reduce_min3A [0] : vector<1024x4096xf32> to vector<4096xf32>
    %iota3A = tpu.iota {dimensions = array<i32: 0>} : vector<1024x4096xi32>
    %broadcast_in_dim3A_27 = vector.shape_cast %reduce_min3A_26 : vector<4096xf32> to vector<1x4096xf32>
    %eq3A = vector.broadcast %broadcast_in_dim3A_27 : vector<1x4096xf32> to vector<1024x4096xf32>
    %eq3A_28 = arith.cmpf oeq, %add3A_25, %eq3A : vector<1024x4096xf32>
    %jit3A = arith.constant 1024 : i32
    %broadcast_in_dim3A_29 = vector.broadcast %jit3A : i32 to vector<1024x4096xi32>
    %select_n3A = arith.select %eq3A_28, %iota3A, %broadcast_in_dim3A_29 : vector<1024x4096xi1>, vector<1024x4096xi32>
    %reduce_min3A_30 = arith.constant dense<2147483647> : vector<4096xi32>
    %reduce_min3A_31 = vector.multi_reduction <minsi>, %select_n3A, %reduce_min3A_30 [0] : vector<1024x4096xi32> to vector<4096xi32>
    %swap3A = arith.constant 0 : index
    %swap3A_32 = arith.constant 0 : index
    %swap3A_33 = arith.constant 0 : index
    %swap3A_34 = vector.load %arg5[%swap3A, %swap3A_32, %swap3A_33] : memref<1x1x4096xi32, #tpu.memory_space<vmem>>, vector<1x1x4096xi32>
    %swap3A_35 = vector.shape_cast %swap3A_34 : vector<1x1x4096xi32> to vector<4096xi32>
    %swap3A_36 = vector.shape_cast %reduce_min3A_31 : vector<4096xi32> to vector<1x1x4096xi32>
    tpu.vector_store %arg5[%swap3A, %swap3A_32, %swap3A_33], %swap3A_36 {strides = array<i32>} : memref<1x1x4096xi32, #tpu.memory_space<vmem>>, vector<1x1x4096xi32>,
    return
  }
  func.func @transform_0(%arg0: i32) -> (i32, i32) {
    %c0_i32 = arith.constant 0 : i32
    %c0_i32_0 = arith.constant 0 : i32
    return %arg0, %c0_i32 : i32, i32
  }
  func.func @transform_1(%arg0: i32) -> (i32, i32) {
    %c0_i32 = arith.constant 0 : i32
    %c0_i32_0 = arith.constant 0 : i32
    %c0_i32_1 = arith.constant 0 : i32
    return %c0_i32, %c0_i32_0 : i32, i32
  }
  func.func @transform_2(%arg0: i32) -> (i32, i32) {
    %c0_i32 = arith.constant 0 : i32
    %c0_i32_0 = arith.constant 0 : i32
    %c0_i32_1 = arith.constant 0 : i32
    return %c0_i32, %c0_i32_0 : i32, i32
  }
  func.func @transform_3(%arg0: i32) -> (i32, i32) {
    %c0_i32 = arith.constant 0 : i32
    %c0_i32_0 = arith.constant 0 : i32
    %c0_i32_1 = arith.constant 0 : i32
    return %c0_i32, %c0_i32_0 : i32, i32
  }
  func.func @transform_4(%arg0: i32) -> (i32, i32, i32) {
    %c0_i32 = arith.constant 0 : i32
    %c0_i32_0 = arith.constant 0 : i32
    %c0_i32_1 = arith.constant 0 : i32
    return %arg0, %c0_i32, %c0_i32_0 : i32, i32, i32
  }
}

module attributes {stable_mosaic.version = 14 : i64} {
  func.func @_proj_out_body(%arg0: i32, %arg1: memref<4096x64xf32, #tpu.memory_space<vmem>>, %arg2: memref<64x512xf32, #tpu.memory_space<vmem>>, %arg3: memref<1x512xf32, #tpu.memory_space<vmem>>, %arg4: memref<4096x512xf32, #tpu.memory_space<vmem>>) attributes {dimension_semantics = [#tpu.dimension_semantics<arbitrary>], iteration_bounds = array<i64: 8>, scalar_prefetch = 0 : i64, scratch_operands = 0 : i64, tpu.core_type = #tpu.core_type<tc>, window_params = [{transform_indices = @transform_0, window_bounds = array<i64: 4096, 64>}, {pipeline_mode = #tpu.pipeline_mode<synchronous>, transform_indices = @transform_1, window_bounds = array<i64: 64, 512>}, {pipeline_mode = #tpu.pipeline_mode<synchronous>, transform_indices = @transform_2, window_bounds = array<i64: 1, 512>}, {transform_indices = @transform_3, window_bounds = array<i64: 4096, 512>}]} {
    %get3A = arith.constant 0 : index
    %get3A_0 = arith.constant 0 : index
    %get3A_1 = vector.load %arg1[%get3A, %get3A_0] : memref<4096x64xf32, #tpu.memory_space<vmem>>, vector<4096x64xf32>
    %get3A_2 = arith.constant 0 : index
    %get3A_3 = arith.constant 0 : index
    %get3A_4 = vector.load %arg2[%get3A_2, %get3A_3] : memref<64x512xf32, #tpu.memory_space<vmem>>, vector<64x512xf32>
    %dot_general3A = arith.constant dense<0.000000e+00> : vector<4096x512xf32>
    %dot_general3A_5 = tpu.matmul %get3A_1, %get3A_4, %dot_general3A {dimension_numbers = #tpu.dot_dimension_numbers<[1], [0], [0], [1], [0, 0, 1, 1], [], []>, transpose_lhs_hint = false} : vector<4096x64xf32>, vector<64x512xf32>, vector<4096x512xf32> -> vector<4096x512xf32>
    %get3A_6 = arith.constant 0 : index
    %get3A_7 = arith.constant 0 : index
    %get3A_8 = vector.load %arg3[%get3A_6, %get3A_7] : memref<1x512xf32, #tpu.memory_space<vmem>>, vector<1x512xf32>
    %add3A = vector.broadcast %get3A_8 : vector<1x512xf32> to vector<4096x512xf32>
    %add3A_9 = arith.addf %dot_general3A_5, %add3A : vector<4096x512xf32>
    %swap3A = arith.constant 0 : index
    %swap3A_10 = arith.constant 0 : index
    %swap3A_11 = vector.load %arg4[%swap3A, %swap3A_10] : memref<4096x512xf32, #tpu.memory_space<vmem>>, vector<4096x512xf32>
    tpu.vector_store %arg4[%swap3A, %swap3A_10], %add3A_9 {strides = array<i32>} : memref<4096x512xf32, #tpu.memory_space<vmem>>, vector<4096x512xf32>,
    return
  }
  func.func @transform_0(%arg0: i32) -> (i32, i32) {
    %c0_i32 = arith.constant 0 : i32
    %c0_i32_0 = arith.constant 0 : i32
    return %arg0, %c0_i32 : i32, i32
  }
  func.func @transform_1(%arg0: i32) -> (i32, i32) {
    %c0_i32 = arith.constant 0 : i32
    %c0_i32_0 = arith.constant 0 : i32
    %c0_i32_1 = arith.constant 0 : i32
    return %c0_i32, %c0_i32_0 : i32, i32
  }
  func.func @transform_2(%arg0: i32) -> (i32, i32) {
    %c0_i32 = arith.constant 0 : i32
    %c0_i32_0 = arith.constant 0 : i32
    %c0_i32_1 = arith.constant 0 : i32
    return %c0_i32, %c0_i32_0 : i32, i32
  }
  func.func @transform_3(%arg0: i32) -> (i32, i32) {
    %c0_i32 = arith.constant 0 : i32
    %c0_i32_0 = arith.constant 0 : i32
    return %arg0, %c0_i32 : i32, i32
  }
}

</mosaic_0001>

<sc_bundles>
// kernel: kernel.5.cloned.1.call-start
scs
__scs_entry_jumppad:
0x0: {  	(pc) =	sbr.rel $0x88, $3  }
0x1: {  	(tag) =	ssettag $0x0;
	lr =	simm.s32 $0x1  }
0x2: {  	[smem:$0x3F9B] =	sst lr;
	_ =	strace $0xD0000000  }
0x3: {  	_ = 	snop  }
0x4: {  	_ = 	snop  }
0x5: {  	_ = 	snop  }
0x6: {  	_ = 	snop  }
0x7: {  	_ = 	snop  }
__scs_overlays_trampoline_lowered:
0x8: {  	[smem:$0x3FAA] =	sst s0  }
0x9: {  	[smem:$0x3FAB] =	sst s1  }
0xa: {  	[smem:$0x3FAC] =	sst s2  }
0xb: {  	[smem:$0x3FAD] =	sst s3  }
0xc: {  	[smem:$0x3FAE] =	sst s4  }
0xd: {  	[smem:$0x3FAF] =	sst s5  }
0xe: {  	[smem:$0x3FB0] =	sst s6  }
0xf: {  	[smem:$0x3FB1] =	sst s7  }
0x10: {  	[smem:$0x3FB2] =	sst s8  }
0x11: {  	[smem:$0x3FB3] =	sst s9;
	s0 =	simm.s32 @!p0 $0x0  }
0x12: {  	s1 =	sld [smem:$0x3F99];
	s0 =	simm.s32 @p0 $0x1  }
0x13: {  	[smem:$0x3FB4] =	sst s0;
	s0 =	simm.s32 @!p1 $0x0  }
0x14: {  	s2 =	sld [smem:$0x3F98];
	s0 =	simm.s32 @p1 $0x1  }
0x15: {  	[smem:$0x3FB5] =	sst s0;
	s0 =	simm.s32 @!p2 $0x0  }
0x16: {  	s3 =	sld [smem:$0x3FDB];
	s0 =	simm.s32 @p2 $0x1  }
0x17: {  	s4 =	simm.s32 $0x1BF5;
	[smem:$0x3FB7] =	sst s0  }
0x18: {  	s0 =	sld [smem:$0x3F9A];
	_ =	swait.ge [sflag:s4], $0x0  }
0x19: {  	s7 =	sld [smem:$0x3F9B]  }
0x1a: {  	s8 =	sadd.s32 $0xFFFFE003, lr  }
0x1b: {  	s9 =	sadd.s32 $0xFFFFFEF7, lr;
	s5 =	simm.s32 $0xFFFFFFFF;
	p2 =	slt.u32 s8, $0xFFFFF086  }
0x1c: {  	p1 =	slt.u32 s9, $0xF7A;
	s5 =	simm.s32 @!p2 $0x0  }
0x1d: {  	s5 =	simm.s32 @p1 $0x1;
	p0 =	seq.s32 s7, s2  }
0x1e: {  	s7 =	smul.u32 @!p0 $0xF7A, s2;
	p2 =	seq.s32 @!p0 s5, $0x0  }
0x1f: {  	s9 =	smul.u32 $0xF7A, s1;
	s8 =	simm.s32 @!p0 $0x1BF5;
	p2 =	por !p2, p0  }
0x20: {  	[sflag:s8] =	ssyncset.s32 @!p0 $0xFFFFF086;
	s6 =	sadd.s32 @!p0 s3, s7;
	s7 =	simm.s32 @!p0 $0x108  }
0x21: {  	s3 =	sadd.s32 s3, s9;
	s6 =	sadd.s32 @!p0 $0x88, s6;
	s7 =	simm.s32 @p2 $0x1082  }
0x22: {  	[simem:s7], [sflag:s8] =	dma.local @!p0 [hbm:s6], $0xF7A  }
0x23: {  	s9 =	sor.u32 $0xD0000000, s2;
	s6 =	simm.s32 $0x108;
	_ =	swait.ge @!p0 [sflag:s8], $0x0  }
0x24: {  	s3 =	sadd.s32 $0x88, s3;
	s6 =	simm.s32 @!p1 $0x1082;
	[sflag:s4] =	ssyncset.s32 $0xFFFFF086  }
0x25: {  	[simem:s6], [sflag:s4] =	dma.local [hbm:s3], $0xF7A  }
0x26: {  	[smem:$0x3F9B] =	sst s1;
	(tag) =	ssettag s2;
	_ =	strace s9  }
0x27: {  	s1 =	sld [smem:$0x3FAB]  }
0x28: {  	s2 =	sld [smem:$0x3FAC]  }
0x29: {  	s4 =	sld [smem:$0x3FAE]  }
0x2a: {  	p0 =	seq.s32 s5, $0x0;
	s5 =	sld [smem:$0x3FAF]  }
0x2b: {  	s6 =	sld [smem:$0x3FB0]  }
0x2c: {  	s7 =	sld [smem:$0x3FB1]  }
0x2d: {  	s3 =	simm.s32 $0x108;
	s8 =	sld [smem:$0x3FB2]  }
0x2e: {  	s3 =	simm.s32 @!p0 $0x1082;
	s9 =	sld [smem:$0x3FB3]  }
0x2f: {  	lr =	sadd.s32 s0, s3;
	s0 =	sld [smem:$0x3FAA]  }
0x30: {  	s3 =	sld [smem:$0x3FAD]  }
0x31: {  	[smem:$0x3FB6] =	sst s10  }
0x32: {  	s10 =	sld [smem:$0x3FB4];
	_ =	sdelay $0x3  }
0x33: {  	p0 =	seq.s32 s10, $0x1;
	s10 =	sld [smem:$0x3FB6];
	_ =	sdelay $0x3  }
0x34: {  	[smem:$0x3FB6] =	sst s10  }
0x35: {  	s10 =	sld [smem:$0x3FB5];
	_ =	sdelay $0x3  }
0x36: {  	p1 =	seq.s32 s10, $0x1;
	s10 =	sld [smem:$0x3FB6];
	_ =	sdelay $0x3  }
0x37: {  	[smem:$0x3FB6] =	sst s10  }
0x38: {  	s10 =	sld [smem:$0x3FB7]  }
0x39: {  	_ = 	snop;
	(pc) =	sbr.ind lr, $3  }
0x3a: {  	_ = 	snop  }
0x3b: {  	_ = 	snop  }
0x3c: {  	p2 =	seq.s32 s10, $0x1;
	s10 =	sld [smem:$0x3FB6]  }
0x3d: {  	_ =	shalt  }
0x3e: {  	_ =	shalt  }
0x3f: {  	_ =	shalt  }
0x40: {  	_ =	shalt  }
0x41: {  	_ =	shalt  }
0x42: {  	_ =	shalt  }
0x43: {  	_ =	shalt  }
0x44: {  	_ =	shalt  }
0x45: {  	_ =	shalt  }
0x46: {  	_ =	shalt  }
0x47: {  	_ =	shalt  }
0x48: {  	_ =	shalt  }
0x49: {  	_ =	shalt  }
0x4a: {  	_ =	shalt  }
0x4b: {  	_ =	shalt  }
0x4c: {  	_ =	shalt  }
0x4d: {  	_ =	shalt  }
0x4e: {  	_ =	shalt  }
0x4f: {  	_ =	shalt  }
0x50: {  	_ =	shalt  }
0x51: {  	_ =	shalt  }
0x52: {  	_ =	shalt  }
0x53: {  	_ =	shalt  }
0x54: {  	_ =	shalt  }
0x55: {  	_ =	shalt  }
0x56: {  	_ =	shalt  }
0x57: {  	_ =	shalt  }
0x58: {  	_ =	shalt  }
0x59: {  	_ =	shalt  }
0x5a: {  	_ =	shalt  }
0x5b: {  	_ =	shalt  }
0x5c: {  	_ =	shalt  }
0x5d: {  	_ =	shalt  }
0x5e: {  	_ =	shalt  }
0x5f: {  	_ =	shalt  }
0x60: {  	_ =	shalt  }
0x61: {  	_ =	shalt  }
0x62: {  	_ =	shalt  }
0x63: {  	_ =	shalt  }
0x64: {  	_ =	shalt  }
0x65: {  	_ =	shalt  }
0x66: {  	_ =	shalt  }
0x67: {  	_ =	shalt  }
0x68: {  	_ =	shalt  }
0x69: {  	_ =	shalt  }
0x6a: {  	_ =	shalt  }
0x6b: {  	_ =	shalt  }
0x6c: {  	_ =	shalt  }
0x6d: {  	_ =	shalt  }
0x6e: {  	_ =	shalt  }
0x6f: {  	_ =	shalt  }
0x70: {  	_ =	shalt  }
0x71: {  	_ =	shalt  }
0x72: {  	_ =	shalt  }
0x73: {  	_ =	shalt  }
0x74: {  	_ =	shalt  }
0x75: {  	_ =	shalt  }
0x76: {  	_ =	shalt  }
0x77: {  	_ =	shalt  }
0x78: {  	_ =	shalt  }
0x79: {  	_ =	shalt  }
0x7a: {  	_ =	shalt  }
0x7b: {  	_ =	shalt  }
0x7c: {  	_ =	shalt  }
0x7d: {  	_ =	shalt  }
0x7e: {  	_ =	shalt  }
0x7f: {  	_ =	shalt  }
0x80: {  	_ =	shalt  }
0x81: {  	_ =	shalt  }
0x82: {  	_ =	shalt  }
0x83: {  	_ =	shalt  }
0x84: {  	_ =	shalt  }
0x85: {  	_ =	shalt  }
0x86: {  	_ =	shalt  }
0x87: {  	_ =	shalt  }
.Lfunc_end0:
.L_simem_size_0:
called_computation_lowered:
.L_overlay_start_0:
0x88: {  	s2 =	sld [smem:$0x3FD9]  }
0x89: {  	s3 =	sld [smem:$0x3FFE];
	_ =	sdelay $0x1  }
0x8a: {  	s1 =	srdreg.scid  }
0x8b: {  	s0 =	sand.u32 $0x1, s1  }
0x8c: {  	s17 =	sshll.u32 s0, $0xA;
	s2 =	sadd.s32 s3, s2  }
0x8d: {  	s2 =	sadd.s32 s2, s17  }
0x8e: {  	[smem:$0x3FC2] =	sst s2  }
0x8f: {  	_ = 	snop  }
0x90: {  	s2 =	sld [smem:$0x3FD0];
	(tm) =	ssettm $0x1  }
0x91: {  	s18 =	sld [smem:$0x3FFB];
	_ =	sdelay $0x3  }
0x92: {  	_ =	strace s18  }
0x93: {  	s3 =	sld [smem:$0x3FFC];
	_ =	sdelay $0x3  }
0x94: {  	_ =	strace s3  }
0x95: {  	s3 =	sld [smem:$0x3FFD];
	_ =	sdelay $0x3  }
0x96: {  	_ =	strace s3  }
0x97: {  	_ =	strace $0x8FFFFFFF  }
0x98: {  	s19 =	sld [smem:$0x3FDB];
	_ =	sdelay $0x1  }
0x99: {  	s4 =	simm.s32 $_scs_section_size  }
0x9a: {  	s5 =	simm.s32 $_size__tile_overlayer_lowered;
	s6 =	simm.s32 $_tile_overlayer_lowered  }
0x9b: {  	s22 =	simm.s32 $0x1BFF;
	s21 =	sshll.u32 s6, $0x1;
	s3 =	sadd.s32 s4, s19  }
0x9c: {  	s7 =	simm.s32 $0x0;
	s20 =	sshll.u32 s5, $0x1;
	s5 =	sadd.s32 s21, s3  }
0x9d: {  	[timem:s7], [sflag:s22] =	dma.local [hbm:s5], s20  }
0x9e: {  	_ =	swait.ge [sflag:s22], s20  }
0x9f: {  	s4 =	ssub.s32 $0x0, s20;
	[sflag:s22] =	ssyncset.done $0x0  }
0xa0: {  	[sflag:s22] =	ssyncadd.s32 s4;
	_ =	sdelay $0x1  }
0xa1: {  	s23 =	simm.s32 $0x1B8B  }
0xa2: {  	_ =	swait.ge [sflag:s23], $0x1  }
0xa3: {  	[sflag:s23] =	ssyncset.done $0x0  }
0xa4: {  	s25 =	simm.s32 $0x1B8E;
	s24 =	sld [smem:$0x3FFE];
	[sflag:s23] =	ssyncadd.s32 $0xFFFFFFFF  }
0xa5: {  	s26 =	simm.s32 $execute0_lowered;
	[smem:$0x3FD2] =	sst s25  }
0xa6: {  	s5 =	sshll.u32 s26, $0x1;
	_ =	strace $0x80000046;
	[dreg:$0x1] =	wrdreg $0xFFFFFFFF  }
0xa7: {  	s28 =	simm.s32 $_size_execute0_lowered;
	s3 =	sadd.s32 s3, s5;
	[dreg:$0x0] =	wrdreg $0x0  }
0xa8: {  	s5 =	sshll.u32 s28, $0x1;
	[dreg:$0x2] =	wrdreg s3  }
0xa9: {  	[dreg:$0x3] =	wrdreg s5  }
0xaa: {  	[dreg:$0x4] =	wrdreg $0xC0  }
0xab: {  	_ =	task [dreg:s7], $0x5FFFF  }
0xac: {  	[dreg:$0x1] =	wrdreg $0xFFFFFFFF  }
0xad: {  	[dreg:$0x0] =	wrdreg $0x60  }
0xae: {  	[dreg:$0x2] =	wrdreg s24  }
0xaf: {  	[dreg:$0x3] =	wrdreg s2  }
0xb0: {  	[dreg:$0x4] =	wrdreg $0x9  }
0xb1: {  	_ =	task.clear_ibuf [dreg:s7], $0x5FFFF;
	_ =	strace $0x90000046  }
0xb2: {  	s29 =	simm.s32 $0x9;
	_ =	strace $0x80000048  }
0xb3: {  	_ =	swait.ge [sflag:s29], $0x1  }
0xb4: {  	[sflag:s29] =	ssyncadd.s32 $0xFFFFFFFF  }
0xb5: {  	_ =	strace $0x90000048  }
0xb6: {  	_ =	sfence  }
0xb7: {  	s30 =	sld [smem:$0x0];
	_ =	sdelay $0x2  }
0xb8: {  	s31 =	sshll.u32 s1, $0xD;
	s1 =	sshrl.u32 s1, $0x2  }
0xb9: {  	s3 =	sand.u32 $0x4000, s31;
	s1 =	sadd.s32 s1, s30  }
0xba: {  	s0 =	sor.u32 s3, s0;
	s1 =	sshll.u32 s1, $0x11  }
0xbb: {  	s0 =	sor.u32 s1, s0  }
0xbc: {  	s0 =	sadd.s32 $0x8F2B, s0  }
0xbd: {  	[sflag:s0] =	ssyncadd.remote.s32 $0x1  }
0xbe: {  	_ =	sfence.sel $0xFFFF  }
0xbf: {  	[dreg:$0x0] =	wrdreg $0xFFFFFFFF;
	(pc) =	sbr.abs _section_cstart, $3  }
0xc0: {  	[dreg:$0x1] =	wrdreg $0xFFFFFFFF  }
0xc1: {  	_ =	task.clear_ibuf [dreg:s7], $0x2FFFF;
	_ =	strace $0x9FFFFFFF  }
0xc2: {  	(tm) =	ssettm $0x7FFFFFFF  }
0xc3: {  	_ =	shalt  }
tec
execute0_lowered:
.L_overlay_start_1:
0x0: {  	(tag) =	ssettag $0x1  }
0x1: {  	s1 =	srdreg.scid  }
0x2: {  	s0 =	stileid.u32;
	s24 =	sand.u32 $0x1, s1  }
0x3: {  	s5 =	rddreg [dreg:$0x0];
	s31 =	sshll.u32 s0, $0xB;
	s2 =	sshll.u32 s24, $0xA  }
0x4: {  	s10 =	rddreg [dreg:$0x1];
	s11 =	sor.u32 s2, s31  }
0x5: {  	s1 =	rddreg [dreg:$0x2];
	s2 =	simm.s32 $0x0;
	s3 =	sshrl.u32 s11, $0x3  }
0x6: {  	[smem:$0x7FF] =	sst s2;
	s3 =	sadd.s32 s3, s5  }
0x7: {  	_ =	strace $0x80000047;
	s4 =	sadd.s32 $0x2C00, s3;
	s3 =	simm.s32 $0x3  }
0x8: {  	[tilespmem:s2], [sflag:$0x3] =	stream.linear.gather [hbm4b:s4+s2], $0x400, $0x38;
	[tilespmem:$0x4400] =	vst v63  }
0x9: {  	_ =	swait.ge [sflag:s3], $0x400  }
0xa: {  	s6 =	simm.s32 $0x80;
	[sflag:s3] =	ssyncset.done $0x0  }
0xb: {  	s7 =	simm.s32 $0x400;
	s5 =	sadd.s32 $0xC00, s5;
	[sflag:s3] =	ssyncadd.s32 $0xFFFFFC00  }
0xc: {  	[tilespmem:s7], [sflag:$0x1] =	stream.indirect.gather [hbm4b:s5+s6], $0x40, s2, s6, $0xb8;
	[tilespmem:$0x4400] =	vst v63  }
0xd: {  	s8 =	simm.s32 $0x2400;
	s9 =	simm.s32 $0x1  }
0xe: {  	[tilespmem:s8], [sflag:$0x2] =	stream.indirect.gather [hbm4b:s5+s6], $0x40, s6, s6, $0xb8;
	[tilespmem:$0x4400] =	vst v63  }
0xf: {  	_ =	swait.ge [sflag:s9], $0x2000  }
0x10: {  	s11 =	sshll.u32 s11, $0x3;
	[sflag:s9] =	ssyncset.done $0x0  }
0x11: {  	s10 =	sadd.s32 s10, s11;
	[sflag:s9] =	ssyncadd.s32 $0xFFFFE000  }
0x12: {  	[hbm4b:s10+s2] =	stream.linear.scatter [tilespmem:s7], [sflag:$0x3], $0x2000, $0x38;
	[tilespmem:$0x4400] =	vst v63  }
0x13: {  	_ =	swait.ge [sflag:s3], $0x2000  }
0x14: {  	[sflag:s3] =	ssyncset.done $0x0  }
0x15: {  	s12 =	simm.s32 $0x2;
	s11 =	simm.s32 $0x100;
	[sflag:s3] =	ssyncadd.s32 $0xFFFFE000  }
0x16: {  	[tilespmem:s7], [sflag:$0x1] =	stream.indirect.gather [hbm4b:s5+s6], $0x40, s11, s6, $0xb8;
	[tilespmem:$0x4400] =	vst v63  }
0x17: {  	_ =	swait.ge [sflag:s12], $0x2000  }
0x18: {  	[sflag:s12] =	ssyncset.done $0x0  }
0x19: {  	s13 =	sadd.s32 $0x400, s10;
	[sflag:s12] =	ssyncadd.s32 $0xFFFFE000  }
0x1a: {  	[hbm4b:s13+s2] =	stream.linear.scatter [tilespmem:s8], [sflag:$0x3], $0x2000, $0x38;
	[tilespmem:$0x4400] =	vst v63  }
0x1b: {  	_ =	swait.ge [sflag:s3], $0x2000  }
0x1c: {  	[sflag:s3] =	ssyncset.done $0x0  }
0x1d: {  	s14 =	simm.s32 $0x180;
	[sflag:s3] =	ssyncadd.s32 $0xFFFFE000  }
0x1e: {  	[tilespmem:s8], [sflag:$0x2] =	stream.indirect.gather [hbm4b:s5+s6], $0x40, s14, s6, $0xb8;
	[tilespmem:$0x4400] =	vst v63  }
0x1f: {  	_ =	swait.ge [sflag:s9], $0x2000  }
0x20: {  	[sflag:s9] =	ssyncset.done $0x0  }
0x21: {  	s15 =	sadd.s32 $0x800, s10;
	[sflag:s9] =	ssyncadd.s32 $0xFFFFE000  }
0x22: {  	[hbm4b:s15+s2] =	stream.linear.scatter [tilespmem:s7], [sflag:$0x3], $0x2000, $0x38;
	[tilespmem:$0x4400] =	vst v63  }
0x23: {  	_ =	swait.ge [sflag:s3], $0x2000  }
0x24: {  	[sflag:s3] =	ssyncset.done $0x0  }
0x25: {  	s16 =	simm.s32 $0x200;
	[sflag:s3] =	ssyncadd.s32 $0xFFFFE000  }
0x26: {  	[tilespmem:s7], [sflag:$0x1] =	stream.indirect.gather [hbm4b:s5+s6], $0x40, s16, s6, $0xb8;
	[tilespmem:$0x4400] =	vst v63  }
0x27: {  	_ =	swait.ge [sflag:s12], $0x2000  }
0x28: {  	[sflag:s12] =	ssyncset.done $0x0  }
0x29: {  	s17 =	sadd.s32 $0xC00, s10;
	[sflag:s12] =	ssyncadd.s32 $0xFFFFE000  }
0x2a: {  	[hbm4b:s17+s2] =	stream.linear.scatter [tilespmem:s8], [sflag:$0x3], $0x2000, $0x38;
	[tilespmem:$0x4400] =	vst v63  }
0x2b: {  	_ =	swait.ge [sflag:s3], $0x2000  }
0x2c: {  	[sflag:s3] =	ssyncset.done $0x0  }
0x2d: {  	s18 =	simm.s32 $0x280;
	[sflag:s3] =	ssyncadd.s32 $0xFFFFE000  }
0x2e: {  	[tilespmem:s8], [sflag:$0x2] =	stream.indirect.gather [hbm4b:s5+s6], $0x40, s18, s6, $0xb8;
	[tilespmem:$0x4400] =	vst v63  }
0x2f: {  	_ =	swait.ge [sflag:s9], $0x2000  }
0x30: {  	[sflag:s9] =	ssyncset.done $0x0  }
0x31: {  	s19 =	sadd.s32 $0x1000, s10;
	[sflag:s9] =	ssyncadd.s32 $0xFFFFE000  }
0x32: {  	[hbm4b:s19+s2] =	stream.linear.scatter [tilespmem:s7], [sflag:$0x3], $0x2000, $0x38;
	[tilespmem:$0x4400] =	vst v63  }
0x33: {  	_ =	swait.ge [sflag:s3], $0x2000  }
0x34: {  	[sflag:s3] =	ssyncset.done $0x0  }
0x35: {  	s20 =	simm.s32 $0x300;
	[sflag:s3] =	ssyncadd.s32 $0xFFFFE000  }
0x36: {  	[tilespmem:s7], [sflag:$0x1] =	stream.indirect.gather [hbm4b:s5+s6], $0x40, s20, s6, $0xb8;
	[tilespmem:$0x4400] =	vst v63  }
0x37: {  	_ =	swait.ge [sflag:s12], $0x2000  }
0x38: {  	[sflag:s12] =	ssyncset.done $0x0  }
0x39: {  	s21 =	sadd.s32 $0x1400, s10;
	[sflag:s12] =	ssyncadd.s32 $0xFFFFE000  }
0x3a: {  	[hbm4b:s21+s2] =	stream.linear.scatter [tilespmem:s8], [sflag:$0x3], $0x2000, $0x38;
	[tilespmem:$0x4400] =	vst v63  }
0x3b: {  	_ =	swait.ge [sflag:s3], $0x2000  }
0x3c: {  	[sflag:s3] =	ssyncset.done $0x0  }
0x3d: {  	s22 =	simm.s32 $0x380;
	[sflag:s3] =	ssyncadd.s32 $0xFFFFE000  }
0x3e: {  	[tilespmem:s8], [sflag:$0x2] =	stream.indirect.gather [hbm4b:s5+s6], $0x40, s22, s6, $0xb8;
	[tilespmem:$0x4400] =	vst v63  }
0x3f: {  	_ =	swait.ge [sflag:s9], $0x2000  }
0x40: {  	[sflag:s9] =	ssyncset.done $0x0  }
0x41: {  	s24 =	ssub.s32 $0x2, s24;
	s23 =	sadd.s32 $0x1800, s10;
	[sflag:s9] =	ssyncadd.s32 $0xFFFFE000  }
0x42: {  	[hbm4b:s23+s2] =	stream.linear.scatter [tilespmem:s7], [sflag:$0x3], $0x2000, $0x38;
	[tilespmem:$0x4400] =	vst v63  }
0x43: {  	s25 =	sshrl.u32 s24, $0x1;
	_ =	swait.ge [sflag:s3], $0x2000  }
0x44: {  	s24 =	ssub.s32 s24, s25;
	[sflag:s3] =	ssyncset.done $0x0  }
0x45: {  	s25 =	smax.u32 s24, $0x1;
	[sflag:s3] =	ssyncadd.s32 $0xFFFFE000  }
0x46: {  	p0 =	sne.s32 s25, $0x1;
	_ =	swait.ge [sflag:s12], $0x2000  }
.Ltmp0:
0x47: {  	[sflag:s12] =	ssyncset.done $0x0;
	(pc) =	sbr.rel @!p0 .LBB2_2-.Ltmp0, $4  }
0x48: {  	s24 =	sadd.s32 $0x1C00, s10;
	[sflag:s12] =	ssyncadd.s32 $0xFFFFE000  }
0x49: {  	[hbm4b:s24+s2] =	stream.linear.scatter [tilespmem:s8], [sflag:$0x3], $0x2000, $0x38;
	[tilespmem:$0x4400] =	vst v63  }
0x4a: {  	_ =	swait.ge [sflag:s3], $0x2000  }
0x4b: {  	s25 =	sadd.s32 $0xFFFFFFFF, s25;
	[sflag:s3] =	ssyncset.done $0x0  }
.LBB2_1:
0x4c: {  	p0 =	sne.s32 s25, $0x1;
	s25 =	sadd.s32 $0xFFFFFFFF, s25;
	[sflag:s3] =	ssyncadd.s32 $0xFFFFE000  }
0x4d: {  	[tilespmem:s2], [sflag:$0x3] =	stream.linear.gather [hbm4b:s4+s2], $0x400, $0x38;
	[tilespmem:$0x4400] =	vst v63  }
0x4e: {  	_ =	swait.ge [sflag:s3], $0x400  }
0x4f: {  	[sflag:s3] =	ssyncset.done $0x0  }
0x50: {  	[sflag:s3] =	ssyncadd.s32 $0xFFFFFC00  }
0x51: {  	[tilespmem:s7], [sflag:$0x1] =	stream.indirect.gather [hbm4b:s5+s6], $0x40, s2, s6, $0xb8;
	[tilespmem:$0x4400] =	vst v63  }
0x52: {  	_ = 	snop  }
0x53: {  	[tilespmem:s8], [sflag:$0x2] =	stream.indirect.gather [hbm4b:s5+s6], $0x40, s6, s6, $0xb8;
	[tilespmem:$0x4400] =	vst v63  }
0x54: {  	_ =	swait.ge [sflag:s9], $0x2000  }
0x55: {  	[sflag:s9] =	ssyncset.done $0x0  }
0x56: {  	[sflag:s9] =	ssyncadd.s32 $0xFFFFE000  }
0x57: {  	[hbm4b:s10+s2] =	stream.linear.scatter [tilespmem:s7], [sflag:$0x3], $0x2000, $0x38;
	[tilespmem:$0x4400] =	vst v63  }
0x58: {  	_ =	swait.ge [sflag:s3], $0x2000  }
0x59: {  	[sflag:s3] =	ssyncset.done $0x0  }
0x5a: {  	[sflag:s3] =	ssyncadd.s32 $0xFFFFE000  }
0x5b: {  	[tilespmem:s7], [sflag:$0x1] =	stream.indirect.gather [hbm4b:s5+s6], $0x40, s11, s6, $0xb8;
	[tilespmem:$0x4400] =	vst v63  }
0x5c: {  	_ =	swait.ge [sflag:s12], $0x2000  }
0x5d: {  	[sflag:s12] =	ssyncset.done $0x0  }
0x5e: {  	[sflag:s12] =	ssyncadd.s32 $0xFFFFE000  }
0x5f: {  	[hbm4b:s13+s2] =	stream.linear.scatter [tilespmem:s8], [sflag:$0x3], $0x2000, $0x38;
	[tilespmem:$0x4400] =	vst v63  }
0x60: {  	_ =	swait.ge [sflag:s3], $0x2000  }
0x61: {  	[sflag:s3] =	ssyncset.done $0x0  }
0x62: {  	[sflag:s3] =	ssyncadd.s32 $0xFFFFE000  }
0x63: {  	[tilespmem:s8], [sflag:$0x2] =	stream.indirect.gather [hbm4b:s5+s6], $0x40, s14, s6, $0xb8;
	[tilespmem:$0x4400] =	vst v63  }
0x64: {  	_ =	swait.ge [sflag:s9], $0x2000  }
0x65: {  	[sflag:s9] =	ssyncset.done $0x0  }
0x66: {  	[sflag:s9] =	ssyncadd.s32 $0xFFFFE000  }
0x67: {  	[hbm4b:s15+s2] =	stream.linear.scatter [tilespmem:s7], [sflag:$0x3], $0x2000, $0x38;
	[tilespmem:$0x4400] =	vst v63  }
0x68: {  	_ =	swait.ge [sflag:s3], $0x2000  }
0x69: {  	[sflag:s3] =	ssyncset.done $0x0  }
0x6a: {  	[sflag:s3] =	ssyncadd.s32 $0xFFFFE000  }
0x6b: {  	[tilespmem:s7], [sflag:$0x1] =	stream.indirect.gather [hbm4b:s5+s6], $0x40, s16, s6, $0xb8;
	[tilespmem:$0x4400] =	vst v63  }
0x6c: {  	_ =	swait.ge [sflag:s12], $0x2000  }
0x6d: {  	[sflag:s12] =	ssyncset.done $0x0  }
0x6e: {  	[sflag:s12] =	ssyncadd.s32 $0xFFFFE000  }
0x6f: {  	[hbm4b:s17+s2] =	stream.linear.scatter [tilespmem:s8], [sflag:$0x3], $0x2000, $0x38;
	[tilespmem:$0x4400] =	vst v63  }
0x70: {  	_ =	swait.ge [sflag:s3], $0x2000  }
0x71: {  	[sflag:s3] =	ssyncset.done $0x0  }
0x72: {  	[sflag:s3] =	ssyncadd.s32 $0xFFFFE000  }
0x73: {  	[tilespmem:s8], [sflag:$0x2] =	stream.indirect.gather [hbm4b:s5+s6], $0x40, s18, s6, $0xb8;
	[tilespmem:$0x4400] =	vst v63  }
0x74: {  	_ =	swait.ge [sflag:s9], $0x2000  }
0x75: {  	[sflag:s9] =	ssyncset.done $0x0  }
0x76: {  	[sflag:s9] =	ssyncadd.s32 $0xFFFFE000  }
0x77: {  	[hbm4b:s19+s2] =	stream.linear.scatter [tilespmem:s7], [sflag:$0x3], $0x2000, $0x38;
	[tilespmem:$0x4400] =	vst v63  }
0x78: {  	_ =	swait.ge [sflag:s3], $0x2000  }
0x79: {  	[sflag:s3] =	ssyncset.done $0x0  }
0x7a: {  	[sflag:s3] =	ssyncadd.s32 $0xFFFFE000  }
0x7b: {  	[tilespmem:s7], [sflag:$0x1] =	stream.indirect.gather [hbm4b:s5+s6], $0x40, s20, s6, $0xb8;
	[tilespmem:$0x4400] =	vst v63  }
0x7c: {  	_ =	swait.ge [sflag:s12], $0x2000  }
0x7d: {  	[sflag:s12] =	ssyncset.done $0x0  }
0x7e: {  	[sflag:s12] =	ssyncadd.s32 $0xFFFFE000  }
0x7f: {  	[hbm4b:s21+s2] =	stream.linear.scatter [tilespmem:s8], [sflag:$0x3], $0x2000, $0x38;
	[tilespmem:$0x4400] =	vst v63  }
0x80: {  	_ =	swait.ge [sflag:s3], $0x2000  }
0x81: {  	[sflag:s3] =	ssyncset.done $0x0  }
0x82: {  	[sflag:s3] =	ssyncadd.s32 $0xFFFFE000  }
0x83: {  	[tilespmem:s8], [sflag:$0x2] =	stream.indirect.gather [hbm4b:s5+s6], $0x40, s22, s6, $0xb8;
	[tilespmem:$0x4400] =	vst v63  }
0x84: {  	_ =	swait.ge [sflag:s9], $0x2000  }
0x85: {  	[sflag:s9] =	ssyncset.done $0x0  }
0x86: {  	[sflag:s9] =	ssyncadd.s32 $0xFFFFE000  }
0x87: {  	[hbm4b:s23+s2] =	stream.linear.scatter [tilespmem:s7], [sflag:$0x3], $0x2000, $0x38;
	[tilespmem:$0x4400] =	vst v63  }
0x88: {  	_ =	swait.ge [sflag:s3], $0x2000  }
0x89: {  	[sflag:s3] =	ssyncset.done $0x0  }
0x8a: {  	[sflag:s3] =	ssyncadd.s32 $0xFFFFE000  }
0x8b: {  	_ =	swait.ge [sflag:s12], $0x2000  }
.Ltmp1:
0x8c: {  	[sflag:s12] =	ssyncset.done $0x0;
	(pc) =	sbr.rel @p0 .LBB2_1-.Ltmp1, $4  }
0x8d: {  	[sflag:s12] =	ssyncadd.s32 $0xFFFFE000  }
0x8e: {  	[hbm4b:s24+s2] =	stream.linear.scatter [tilespmem:s8], [sflag:$0x3], $0x2000, $0x38;
	[tilespmem:$0x4400] =	vst v63  }
0x8f: {  	_ =	swait.ge [sflag:s3], $0x2000  }
0x90: {  	[sflag:s3] =	ssyncset.done $0x0  }
.LBB2_2:
0x91: {  	[sflag:s3] =	ssyncadd.s32 $0xFFFFE000  }
0x92: {  	_ =	sfence.sel $0x180000  }
0x93: {  	[bflag:$0x0] =	sbarrier.arrive $0xFFFF  }
0x94: {  	p0 =	sne.s32 s0, $0x0;
	_ =	strace $0x90000047  }
0x95: {  	s0 =	sadd.s32 @!p0 $0x100000, s1;
	[bflag:$0x2] =	sbarrier.arrive $0xFFFF  }
0x96: {  	[sflag:s0] =	ssyncadd.tile.s32 @!p0 $0x1;
	_ =	shalt  }
.Lfunc_end2:
_tile_overlayer_lowered:
.L_overlay_start_2:
0x97: {  	(tag) =	ssettag $0x2  }
0x98: {  	s0 =	rddreg [dreg:$0x0];
	s2 =	stileid.u32  }
0x99: {  	s1 =	rddreg [dreg:$0x1];
	p0 =	sne.s32 s2, $0x0  }
0x9a: {  	s3 =	rddreg [dreg:$0x2];
	[bflag:$0x3] =	sbarrier.arrive $0xFFFF;
	s2 =	simm.s32 @!p0 $0x1C03  }
0x9b: {  	[timem:s3], [sflag:s2] =	dma.local @!p0 [hbm:s0], s1  }
0x9c: {  	s0 =	simm.s32 @!p0 $0x3  }
0x9d: {  	_ =	swait.ge @!p0 [sflag:s0], s1  }
0x9e: {  	s1 =	ssub.s32 @!p0 $0x0, s1;
	[sflag:s0] =	ssyncset.done @!p0 $0x0  }
0x9f: {  	[sflag:s0] =	ssyncadd.s32 @!p0 s1  }
0xa0: {  	[bflag:$0x3] =	sbarrier.arrive $0xFFFF  }
0xa1: {  	_ =	shalt  }

</sc_bundles>
